<compile_context>
chip_gen: v7x
topology: tpu7x:2x2x1
jax: 0.10.2.dev20260603
libtpu: 0.0.44.dev20260713+nightly
codegen_flags: <defaults>
</compile_context>

<pallas_src>
import functools

import jax
import jax.numpy as jnp
from jax import lax
from jax.experimental import pallas as pl
from jax.experimental.pallas import tpu as pltpu
from jax.experimental.pallas import tpu_sc as plsc

N_EXP = 8
D = 768
N_TOK = 32768
NW = 32
TOK_PER_W = N_TOK // NW
LANES = 16
GROUPS = TOK_PER_W // LANES



def _proj_body(w_ref, x_ref, o_ref):
    o_ref[0] = lax.dot_general(
        w_ref[...], x_ref[...],
        dimension_numbers=(((1,), (1,)), ((), ())),
        preferred_element_type=jnp.float32,
    )


def _project(tokens, W):
    return pl.pallas_call(
        _proj_body,
        grid=(NW,),
        in_specs=[
            pl.BlockSpec((N_EXP, D), lambda i: (0, 0)),
            pl.BlockSpec((TOK_PER_W, D), lambda i: (i, 0)),
        ],
        out_specs=pl.BlockSpec((1, N_EXP, TOK_PER_W), lambda i: (i, 0, 0)),
        out_shape=jax.ShapeDtypeStruct((NW, N_EXP, TOK_PER_W), jnp.float32),
    )(W, tokens)



_mesh = plsc.VectorSubcoreMesh(core_axis_name="c", subcore_axis_name="s")


@functools.partial(
    pl.kernel,
    mesh=_mesh,
    out_type=[
        jax.ShapeDtypeStruct((N_TOK * 2,), jnp.float32),
        jax.ShapeDtypeStruct((N_TOK * 2,), jnp.int32),
    ],
    scratch_types=[
        pltpu.VMEM((N_EXP, TOK_PER_W), jnp.float32),
        pltpu.VMEM((TOK_PER_W * 2,), jnp.float32),
        pltpu.VMEM((TOK_PER_W * 2,), jnp.int32),
    ],
)
def _route(lg_hbm, sc_hbm, ix_hbm, lg_v, sc_v, ix_v):
    wid = lax.axis_index("s") * 2 + lax.axis_index("c")
    pltpu.sync_copy(lg_hbm.at[wid], lg_v)

    lanes = lax.iota(jnp.int32, LANES)
    even = (lanes & 1) == 0
    h0 = lanes >> 1
    h1 = h0 + 8

    def _vgather(x, idx):
        return lax.gather(
            x, idx.reshape(LANES, 1),
            lax.GatherDimensionNumbers(
                offset_dims=(), collapsed_slice_dims=(0,),
                start_index_map=(0,)),
            (1,), mode=lax.GatherScatterMode.PROMISE_IN_BOUNDS)

    def _interleave(a, b):
        lo = jnp.where(even, _vgather(a, h0), _vgather(b, h0))
        hi = jnp.where(even, _vgather(a, h1), _vgather(b, h1))
        return lo, hi

    def body(g, carry):
        base = g * LANES
        vs = [lg_v[e, pl.ds(base, LANES)] for e in range(N_EXP)]
        m = vs[0]
        for e in range(1, N_EXP):
            m = jnp.maximum(m, vs[e])
        ex = [jnp.exp(vs[e] - m) for e in range(N_EXP)]
        tot = ex[0]
        for e in range(1, N_EXP):
            tot = tot + ex[e]
        v1 = ex[0]
        i1 = jnp.zeros((LANES,), jnp.int32)
        for e in range(1, N_EXP):
            gt = ex[e] > v1
            v1 = jnp.where(gt, ex[e], v1)
            i1 = jnp.where(gt, jnp.int32(e), i1)
        v2 = jnp.full((LANES,), -1.0, jnp.float32)
        i2 = jnp.zeros((LANES,), jnp.int32)
        for e in range(N_EXP):
            ok = (ex[e] > v2) & (i1 != jnp.int32(e))
            v2 = jnp.where(ok, ex[e], v2)
            i2 = jnp.where(ok, jnp.int32(e), i2)
        s_lo, s_hi = _interleave(v1 / tot, v2 / tot)
        i_lo, i_hi = _interleave(i1, i2)
        fbase = base * 2
        sc_v[pl.ds(fbase, LANES)] = s_lo
        sc_v[pl.ds(fbase + LANES, LANES)] = s_hi
        ix_v[pl.ds(fbase, LANES)] = i_lo
        ix_v[pl.ds(fbase + LANES, LANES)] = i_hi
        return carry

    lax.fori_loop(0, GROUPS, body, 0)

    out0 = wid * (TOK_PER_W * 2)
    pltpu.sync_copy(sc_v, sc_hbm.at[pl.ds(out0, TOK_PER_W * 2)])
    pltpu.sync_copy(ix_v, ix_hbm.at[pl.ds(out0, TOK_PER_W * 2)])


def kernel(tokens, W):
    logits3 = _project(tokens, W)
    dummy = jnp.zeros((NW, N_EXP, TOK_PER_W), jnp.float32)
    scores, idx = _route(dummy)
    return logits3, scores, idx

# --- scband reference (transcript-rebuilt; emitter-appended) ---
"""Pipeline reference for scband-mo-erouter-80169859547410 (READ-ONLY COPY).

The authoritative reference and input builder live on the scoring server;
editing this copy changes nothing except your own understanding.
"""

import jax, jax.numpy as jnp
import numpy as np

NUM_EXPERTS = 8
INPUT_DIM = 768
TOPK = 2
NUM_TOKENS = 32768


def setup_inputs(seed: int = 0) -> dict:
    key = jax.random.key(seed)
    k1, k2 = jax.random.split(key)
    tokens = jax.random.normal(k1, (NUM_TOKENS, INPUT_DIM), dtype=jnp.float32)
    # nn.Linear(input_dim, num_experts, bias=False) -> weight shape [num_experts, input_dim]
    W = jax.random.normal(k2, (NUM_EXPERTS, INPUT_DIM), dtype=jnp.float32) * (1.0 / np.sqrt(INPUT_DIM))
    return {"tokens": tokens, "W": W}


def reference(tokens, W):
    # scores = Linear(tokens).softmax(-1)
    logits = tokens @ W.T
    scores = jax.nn.softmax(logits, axis=-1)
    # torch.topk(scores, k=topk, dim=-1, sorted=False)
    topk_scores, topk_indices = jax.lax.top_k(scores, TOPK)
    return (topk_scores, topk_indices)

if __name__ == "__main__":
    import jax
    _d = setup_inputs()
    print(jax.jit(kernel)(*tuple(_d.values())))

</pallas_src>

<mosaic_0001>
#map = affine_map<(d0, d1) -> (0, 0, 0)>
#map1 = affine_map<(d0, d1) -> (0)>
module attributes {stable_mosaic.version = 14 : i64} {
  func.func @_route(%arg0: i32, %arg1: i32, %arg2: memref<32x8x1024xf32, #tpu.memory_space<hbm>>, %arg3: memref<65536xf32, #tpu.memory_space<hbm>>, %arg4: memref<65536xi32, #tpu.memory_space<hbm>>, %arg5: memref<8x1024xf32, #tpu.memory_space<vmem>>, %arg6: memref<2048xf32, #tpu.memory_space<vmem>>, %arg7: memref<2048xi32, #tpu.memory_space<vmem>>) attributes {dimension_semantics = [#tpu.dimension_semantics<core_parallel>, #tpu.dimension_semantics<subcore_parallel>], iteration_bounds = array<i64: 2, 16>, scalar_prefetch = 0 : i64, scratch_operands = 3 : i64, tpu.core_type = #tpu.core_type<sc_vector_subcore>, window_params = [{transform_indices = #map}, {transform_indices = #map1}, {transform_indices = #map1}]} {
    %mul3A = arith.constant 2 : i32
    %mul3A_0 = arith.muli %arg1, %mul3A : i32
    %add3A = arith.addi %mul3A_0, %arg0 : i32
    "tpu.region"() ({
      %run_scoped3A = tpu.sem_alloc : memref<!tpu.dma_semaphore, #tpu.memory_space<semaphore_mem>>
      %dma_start3A = arith.constant 0 : i32
      %dma_start3A_17 = arith.constant 0 : i32
      %dma_start3A_18 = tpu.memref_slice %arg2[%add3A, %dma_start3A, %dma_start3A_17] : memref<32x8x1024xf32, #tpu.memory_space<hbm>> -> memref<1x8x1024xf32, #tpu.memory_space<hbm>>
      %dma_start3A_19 = tpu.memref_squeeze %dma_start3A_18 : memref<1x8x1024xf32, #tpu.memory_space<hbm>> -> memref<8x1024xf32, #tpu.memory_space<hbm>>
      %dma_start3A_20 = arith.constant 0 : i32
      %dma_start3A_21 = arith.constant 0 : i32
      %dma_start3A_22 = tpu.memref_slice %arg2[%add3A, %dma_start3A_20, %dma_start3A_21] : memref<32x8x1024xf32, #tpu.memory_space<hbm>> -> memref<1x8x1024xf32, #tpu.memory_space<hbm>>
      %dma_start3A_23 = tpu.memref_squeeze %dma_start3A_22 : memref<1x8x1024xf32, #tpu.memory_space<hbm>> -> memref<8x1024xf32, #tpu.memory_space<hbm>>
      tpu.enqueue_dma source(%dma_start3A_23 : memref<8x1024xf32, #tpu.memory_space<hbm>>) target(%arg5 : memref<8x1024xf32, #tpu.memory_space<vmem>>) target_semaphore(%run_scoped3A : memref<!tpu.dma_semaphore, #tpu.memory_space<semaphore_mem>>)
      %dma_wait3A = arith.constant 0 : i32
      %dma_wait3A_24 = arith.constant 0 : i32
      %dma_wait3A_25 = tpu.memref_slice %arg2[%add3A, %dma_wait3A, %dma_wait3A_24] : memref<32x8x1024xf32, #tpu.memory_space<hbm>> -> memref<1x8x1024xf32, #tpu.memory_space<hbm>>
      %dma_wait3A_26 = tpu.memref_squeeze %dma_wait3A_25 : memref<1x8x1024xf32, #tpu.memory_space<hbm>> -> memref<8x1024xf32, #tpu.memory_space<hbm>>
      %dma_wait3A_27 = arith.constant 0 : i32
      %dma_wait3A_28 = arith.constant 0 : i32
      %dma_wait3A_29 = tpu.memref_slice %arg2[%add3A, %dma_wait3A_27, %dma_wait3A_28] : memref<32x8x1024xf32, #tpu.memory_space<hbm>> -> memref<1x8x1024xf32, #tpu.memory_space<hbm>>
      %dma_wait3A_30 = tpu.memref_squeeze %dma_wait3A_29 : memref<1x8x1024xf32, #tpu.memory_space<hbm>> -> memref<8x1024xf32, #tpu.memory_space<hbm>>
      tpu.wait_dma2 semaphore(%run_scoped3A : memref<!tpu.dma_semaphore, #tpu.memory_space<semaphore_mem>>) src(%dma_wait3A_30 : memref<8x1024xf32, #tpu.memory_space<hbm>>) dst(%arg5 : memref<8x1024xf32, #tpu.memory_space<vmem>>)
      tpu.yield
    }) : () -> ()
    %iota3A = tpu.iota {dimensions = array<i32: 0>} : vector<16xi32>
    %and3A = arith.constant 1 : i32
    %and3A_1 = vector.broadcast %and3A : i32 to vector<16xi32>
    %and3A_2 = arith.andi %iota3A, %and3A_1 : vector<16xi32>
    %eq3A = arith.constant 0 : i32
    %eq3A_3 = vector.broadcast %eq3A : i32 to vector<16xi32>
    %eq3A_4 = arith.cmpi eq, %and3A_2, %eq3A_3 : vector<16xi32>
    %shift_right_arithmetic3A = arith.constant 1 : i32
    %shift_right_arithmetic3A_5 = vector.broadcast %shift_right_arithmetic3A : i32 to vector<16xi32>
    %shift_right_arithmetic3A_6 = arith.shrsi %iota3A, %shift_right_arithmetic3A_5 : vector<16xi32>
    %add3A_7 = arith.constant 8 : i32
    %add3A_8 = vector.broadcast %add3A_7 : i32 to vector<16xi32>
    %add3A_9 = arith.addi %shift_right_arithmetic3A_6, %add3A_8 : vector<16xi32>
    %scan3A = arith.constant 0 : i32
    %scan3A_10 = arith.constant 0 : i32
    %scan3A_11 = arith.constant 64 : i32
    %scan3A_12 = arith.addi %scan3A_10, %scan3A_11 : i32
    %scan3A_13 = arith.constant 1 : i32
    scf.for %scan3A_17 = %scan3A_10 to %scan3A_12 step %scan3A_13  : i32 {
      %mul3A_18 = arith.constant 16 : i32
      %mul3A_19 = arith.muli %scan3A_17, %mul3A_18 : i32
      %get3A = arith.constant 0 : i32
      %get3A_20 = arith.index_cast %get3A : i32 to index
      %get3A_21 = arith.index_cast %mul3A_19 : i32 to index
      %get3A_22 = tpu.vector_load %arg5[%get3A_20, %get3A_21] {strides = array<i32>} : memref<8x1024xf32, #tpu.memory_space<vmem>>, vector<1x16xf32>,
      %get3A_23 = vector.shape_cast %get3A_22 : vector<1x16xf32> to vector<16xf32>
      %get3A_24 = arith.constant 1 : i32
      %get3A_25 = arith.index_cast %get3A_24 : i32 to index
      %get3A_26 = arith.index_cast %mul3A_19 : i32 to index
      %get3A_27 = tpu.vector_load %arg5[%get3A_25, %get3A_26] {strides = array<i32>} : memref<8x1024xf32, #tpu.memory_space<vmem>>, vector<1x16xf32>,
      %get3A_28 = vector.shape_cast %get3A_27 : vector<1x16xf32> to vector<16xf32>
      %get3A_29 = arith.constant 2 : i32
      %get3A_30 = arith.index_cast %get3A_29 : i32 to index
      %get3A_31 = arith.index_cast %mul3A_19 : i32 to index
      %get3A_32 = tpu.vector_load %arg5[%get3A_30, %get3A_31] {strides = array<i32>} : memref<8x1024xf32, #tpu.memory_space<vmem>>, vector<1x16xf32>,
      %get3A_33 = vector.shape_cast %get3A_32 : vector<1x16xf32> to vector<16xf32>
      %get3A_34 = arith.constant 3 : i32
      %get3A_35 = arith.index_cast %get3A_34 : i32 to index
      %get3A_36 = arith.index_cast %mul3A_19 : i32 to index
      %get3A_37 = tpu.vector_load %arg5[%get3A_35, %get3A_36] {strides = array<i32>} : memref<8x1024xf32, #tpu.memory_space<vmem>>, vector<1x16xf32>,
      %get3A_38 = vector.shape_cast %get3A_37 : vector<1x16xf32> to vector<16xf32>
      %get3A_39 = arith.constant 4 : i32
      %get3A_40 = arith.index_cast %get3A_39 : i32 to index
      %get3A_41 = arith.index_cast %mul3A_19 : i32 to index
      %get3A_42 = tpu.vector_load %arg5[%get3A_40, %get3A_41] {strides = array<i32>} : memref<8x1024xf32, #tpu.memory_space<vmem>>, vector<1x16xf32>,
      %get3A_43 = vector.shape_cast %get3A_42 : vector<1x16xf32> to vector<16xf32>
      %get3A_44 = arith.constant 5 : i32
      %get3A_45 = arith.index_cast %get3A_44 : i32 to index
      %get3A_46 = arith.index_cast %mul3A_19 : i32 to index
      %get3A_47 = tpu.vector_load %arg5[%get3A_45, %get3A_46] {strides = array<i32>} : memref<8x1024xf32, #tpu.memory_space<vmem>>, vector<1x16xf32>,
      %get3A_48 = vector.shape_cast %get3A_47 : vector<1x16xf32> to vector<16xf32>
      %get3A_49 = arith.constant 6 : i32
      %get3A_50 = arith.index_cast %get3A_49 : i32 to index
      %get3A_51 = arith.index_cast %mul3A_19 : i32 to index
      %get3A_52 = tpu.vector_load %arg5[%get3A_50, %get3A_51] {strides = array<i32>} : memref<8x1024xf32, #tpu.memory_space<vmem>>, vector<1x16xf32>,
      %get3A_53 = vector.shape_cast %get3A_52 : vector<1x16xf32> to vector<16xf32>
      %get3A_54 = arith.constant 7 : i32
      %get3A_55 = arith.index_cast %get3A_54 : i32 to index
      %get3A_56 = arith.index_cast %mul3A_19 : i32 to index
      %get3A_57 = tpu.vector_load %arg5[%get3A_55, %get3A_56] {strides = array<i32>} : memref<8x1024xf32, #tpu.memory_space<vmem>>, vector<1x16xf32>,
      %get3A_58 = vector.shape_cast %get3A_57 : vector<1x16xf32> to vector<16xf32>
      %max3A = arith.maximumf %get3A_23, %get3A_28 : vector<16xf32>
      %max3A_59 = arith.maximumf %max3A, %get3A_33 : vector<16xf32>
      %max3A_60 = arith.maximumf %max3A_59, %get3A_38 : vector<16xf32>
      %max3A_61 = arith.maximumf %max3A_60, %get3A_43 : vector<16xf32>
      %max3A_62 = arith.maximumf %max3A_61, %get3A_48 : vector<16xf32>
      %max3A_63 = arith.maximumf %max3A_62, %get3A_53 : vector<16xf32>
      %max3A_64 = arith.maximumf %max3A_63, %get3A_58 : vector<16xf32>
      %sub3A = arith.subf %get3A_23, %max3A_64 : vector<16xf32>
      %exp3A = math.exp %sub3A : vector<16xf32>
      %sub3A_65 = arith.subf %get3A_28, %max3A_64 : vector<16xf32>
      %exp3A_66 = math.exp %sub3A_65 : vector<16xf32>
      %sub3A_67 = arith.subf %get3A_33, %max3A_64 : vector<16xf32>
      %exp3A_68 = math.exp %sub3A_67 : vector<16xf32>
      %sub3A_69 = arith.subf %get3A_38, %max3A_64 : vector<16xf32>
      %exp3A_70 = math.exp %sub3A_69 : vector<16xf32>
      %sub3A_71 = arith.subf %get3A_43, %max3A_64 : vector<16xf32>
      %exp3A_72 = math.exp %sub3A_71 : vector<16xf32>
      %sub3A_73 = arith.subf %get3A_48, %max3A_64 : vector<16xf32>
      %exp3A_74 = math.exp %sub3A_73 : vector<16xf32>
      %sub3A_75 = arith.subf %get3A_53, %max3A_64 : vector<16xf32>
      %exp3A_76 = math.exp %sub3A_75 : vector<16xf32>
      %sub3A_77 = arith.subf %get3A_58, %max3A_64 : vector<16xf32>
      %exp3A_78 = math.exp %sub3A_77 : vector<16xf32>
      %add3A_79 = arith.addf %exp3A, %exp3A_66 : vector<16xf32>
      %add3A_80 = arith.addf %add3A_79, %exp3A_68 : vector<16xf32>
      %add3A_81 = arith.addf %add3A_80, %exp3A_70 : vector<16xf32>
      %add3A_82 = arith.addf %add3A_81, %exp3A_72 : vector<16xf32>
      %add3A_83 = arith.addf %add3A_82, %exp3A_74 : vector<16xf32>
      %add3A_84 = arith.addf %add3A_83, %exp3A_76 : vector<16xf32>
      %add3A_85 = arith.addf %add3A_84, %exp3A_78 : vector<16xf32>
      %broadcast_in_dim3A = arith.constant 0 : i32
      %broadcast_in_dim3A_86 = vector.broadcast %broadcast_in_dim3A : i32 to vector<16xi32>
      %gt3A = arith.cmpf ogt, %exp3A_66, %exp3A : vector<16xf32>
      %select_n3A = arith.select %gt3A, %exp3A_66, %exp3A : vector<16xi1>, vector<16xf32>
      %jit3A = arith.constant 1 : i32
      %broadcast_in_dim3A_87 = vector.broadcast %jit3A : i32 to vector<16xi32>
      %select_n3A_88 = arith.select %gt3A, %broadcast_in_dim3A_87, %broadcast_in_dim3A_86 : vector<16xi1>, vector<16xi32>
      %gt3A_89 = arith.cmpf ogt, %exp3A_68, %select_n3A : vector<16xf32>
      %select_n3A_90 = arith.select %gt3A_89, %exp3A_68, %select_n3A : vector<16xi1>, vector<16xf32>
      %jit3A_91 = arith.constant 2 : i32
      %broadcast_in_dim3A_92 = vector.broadcast %jit3A_91 : i32 to vector<16xi32>
      %select_n3A_93 = arith.select %gt3A_89, %broadcast_in_dim3A_92, %select_n3A_88 : vector<16xi1>, vector<16xi32>
      %gt3A_94 = arith.cmpf ogt, %exp3A_70, %select_n3A_90 : vector<16xf32>
      %select_n3A_95 = arith.select %gt3A_94, %exp3A_70, %select_n3A_90 : vector<16xi1>, vector<16xf32>
      %jit3A_96 = arith.constant 3 : i32
      %broadcast_in_dim3A_97 = vector.broadcast %jit3A_96 : i32 to vector<16xi32>
      %select_n3A_98 = arith.select %gt3A_94, %broadcast_in_dim3A_97, %select_n3A_93 : vector<16xi1>, vector<16xi32>
      %gt3A_99 = arith.cmpf ogt, %exp3A_72, %select_n3A_95 : vector<16xf32>
      %select_n3A_100 = arith.select %gt3A_99, %exp3A_72, %select_n3A_95 : vector<16xi1>, vector<16xf32>
      %jit3A_101 = arith.constant 4 : i32
      %broadcast_in_dim3A_102 = vector.broadcast %jit3A_101 : i32 to vector<16xi32>
      %select_n3A_103 = arith.select %gt3A_99, %broadcast_in_dim3A_102, %select_n3A_98 : vector<16xi1>, vector<16xi32>
      %gt3A_104 = arith.cmpf ogt, %exp3A_74, %select_n3A_100 : vector<16xf32>
      %select_n3A_105 = arith.select %gt3A_104, %exp3A_74, %select_n3A_100 : vector<16xi1>, vector<16xf32>
      %jit3A_106 = arith.constant 5 : i32
      %broadcast_in_dim3A_107 = vector.broadcast %jit3A_106 : i32 to vector<16xi32>
      %select_n3A_108 = arith.select %gt3A_104, %broadcast_in_dim3A_107, %select_n3A_103 : vector<16xi1>, vector<16xi32>
      %gt3A_109 = arith.cmpf ogt, %exp3A_76, %select_n3A_105 : vector<16xf32>
      %select_n3A_110 = arith.select %gt3A_109, %exp3A_76, %select_n3A_105 : vector<16xi1>, vector<16xf32>
      %jit3A_111 = arith.constant 6 : i32
      %broadcast_in_dim3A_112 = vector.broadcast %jit3A_111 : i32 to vector<16xi32>
      %select_n3A_113 = arith.select %gt3A_109, %broadcast_in_dim3A_112, %select_n3A_108 : vector<16xi1>, vector<16xi32>
      %gt3A_114 = arith.cmpf ogt, %exp3A_78, %select_n3A_110 : vector<16xf32>
      %select_n3A_115 = arith.select %gt3A_114, %exp3A_78, %select_n3A_110 : vector<16xi1>, vector<16xf32>
      %jit3A_116 = arith.constant 7 : i32
      %broadcast_in_dim3A_117 = vector.broadcast %jit3A_116 : i32 to vector<16xi32>
      %select_n3A_118 = arith.select %gt3A_114, %broadcast_in_dim3A_117, %select_n3A_113 : vector<16xi1>, vector<16xi32>
      %broadcast_in_dim3A_119 = arith.constant -1.000000e+00 : f32
      %broadcast_in_dim3A_120 = vector.broadcast %broadcast_in_dim3A_119 : f32 to vector<16xf32>
      %broadcast_in_dim3A_121 = arith.constant 0 : i32
      %broadcast_in_dim3A_122 = vector.broadcast %broadcast_in_dim3A_121 : i32 to vector<16xi32>
      %gt3A_123 = arith.cmpf ogt, %exp3A, %broadcast_in_dim3A_120 : vector<16xf32>
      %ne3A = arith.constant 0 : i32
      %ne3A_124 = vector.broadcast %ne3A : i32 to vector<16xi32>
      %ne3A_125 = arith.cmpi ne, %select_n3A_118, %ne3A_124 : vector<16xi32>
      %and3A_126 = arith.andi %gt3A_123, %ne3A_125 : vector<16xi1>
      %select_n3A_127 = arith.select %and3A_126, %exp3A, %broadcast_in_dim3A_120 : vector<16xi1>, vector<16xf32>
      %jit3A_128 = arith.constant 0 : i32
      %broadcast_in_dim3A_129 = vector.broadcast %jit3A_128 : i32 to vector<16xi32>
      %select_n3A_130 = arith.select %and3A_126, %broadcast_in_dim3A_129, %broadcast_in_dim3A_122 : vector<16xi1>, vector<16xi32>
      %gt3A_131 = arith.cmpf ogt, %exp3A_66, %select_n3A_127 : vector<16xf32>
      %ne3A_132 = arith.constant 1 : i32
      %ne3A_133 = vector.broadcast %ne3A_132 : i32 to vector<16xi32>
      %ne3A_134 = arith.cmpi ne, %select_n3A_118, %ne3A_133 : vector<16xi32>
      %and3A_135 = arith.andi %gt3A_131, %ne3A_134 : vector<16xi1>
      %select_n3A_136 = arith.select %and3A_135, %exp3A_66, %select_n3A_127 : vector<16xi1>, vector<16xf32>
      %jit3A_137 = arith.constant 1 : i32
      %broadcast_in_dim3A_138 = vector.broadcast %jit3A_137 : i32 to vector<16xi32>
      %select_n3A_139 = arith.select %and3A_135, %broadcast_in_dim3A_138, %select_n3A_130 : vector<16xi1>, vector<16xi32>
      %gt3A_140 = arith.cmpf ogt, %exp3A_68, %select_n3A_136 : vector<16xf32>
      %ne3A_141 = arith.constant 2 : i32
      %ne3A_142 = vector.broadcast %ne3A_141 : i32 to vector<16xi32>
      %ne3A_143 = arith.cmpi ne, %select_n3A_118, %ne3A_142 : vector<16xi32>
      %and3A_144 = arith.andi %gt3A_140, %ne3A_143 : vector<16xi1>
      %select_n3A_145 = arith.select %and3A_144, %exp3A_68, %select_n3A_136 : vector<16xi1>, vector<16xf32>
      %jit3A_146 = arith.constant 2 : i32
      %broadcast_in_dim3A_147 = vector.broadcast %jit3A_146 : i32 to vector<16xi32>
      %select_n3A_148 = arith.select %and3A_144, %broadcast_in_dim3A_147, %select_n3A_139 : vector<16xi1>, vector<16xi32>
      %gt3A_149 = arith.cmpf ogt, %exp3A_70, %select_n3A_145 : vector<16xf32>
      %ne3A_150 = arith.constant 3 : i32
      %ne3A_151 = vector.broadcast %ne3A_150 : i32 to vector<16xi32>
      %ne3A_152 = arith.cmpi ne, %select_n3A_118, %ne3A_151 : vector<16xi32>
      %and3A_153 = arith.andi %gt3A_149, %ne3A_152 : vector<16xi1>
      %select_n3A_154 = arith.select %and3A_153, %exp3A_70, %select_n3A_145 : vector<16xi1>, vector<16xf32>
      %jit3A_155 = arith.constant 3 : i32
      %broadcast_in_dim3A_156 = vector.broadcast %jit3A_155 : i32 to vector<16xi32>
      %select_n3A_157 = arith.select %and3A_153, %broadcast_in_dim3A_156, %select_n3A_148 : vector<16xi1>, vector<16xi32>
      %gt3A_158 = arith.cmpf ogt, %exp3A_72, %select_n3A_154 : vector<16xf32>
      %ne3A_159 = arith.constant 4 : i32
      %ne3A_160 = vector.broadcast %ne3A_159 : i32 to vector<16xi32>
      %ne3A_161 = arith.cmpi ne, %select_n3A_118, %ne3A_160 : vector<16xi32>
      %and3A_162 = arith.andi %gt3A_158, %ne3A_161 : vector<16xi1>
      %select_n3A_163 = arith.select %and3A_162, %exp3A_72, %select_n3A_154 : vector<16xi1>, vector<16xf32>
      %jit3A_164 = arith.constant 4 : i32
      %broadcast_in_dim3A_165 = vector.broadcast %jit3A_164 : i32 to vector<16xi32>
      %select_n3A_166 = arith.select %and3A_162, %broadcast_in_dim3A_165, %select_n3A_157 : vector<16xi1>, vector<16xi32>
      %gt3A_167 = arith.cmpf ogt, %exp3A_74, %select_n3A_163 : vector<16xf32>
      %ne3A_168 = arith.constant 5 : i32
      %ne3A_169 = vector.broadcast %ne3A_168 : i32 to vector<16xi32>
      %ne3A_170 = arith.cmpi ne, %select_n3A_118, %ne3A_169 : vector<16xi32>
      %and3A_171 = arith.andi %gt3A_167, %ne3A_170 : vector<16xi1>
      %select_n3A_172 = arith.select %and3A_171, %exp3A_74, %select_n3A_163 : vector<16xi1>, vector<16xf32>
      %jit3A_173 = arith.constant 5 : i32
      %broadcast_in_dim3A_174 = vector.broadcast %jit3A_173 : i32 to vector<16xi32>
      %select_n3A_175 = arith.select %and3A_171, %broadcast_in_dim3A_174, %select_n3A_166 : vector<16xi1>, vector<16xi32>
      %gt3A_176 = arith.cmpf ogt, %exp3A_76, %select_n3A_172 : vector<16xf32>
      %ne3A_177 = arith.constant 6 : i32
      %ne3A_178 = vector.broadcast %ne3A_177 : i32 to vector<16xi32>
      %ne3A_179 = arith.cmpi ne, %select_n3A_118, %ne3A_178 : vector<16xi32>
      %and3A_180 = arith.andi %gt3A_176, %ne3A_179 : vector<16xi1>
      %select_n3A_181 = arith.select %and3A_180, %exp3A_76, %select_n3A_172 : vector<16xi1>, vector<16xf32>
      %jit3A_182 = arith.constant 6 : i32
      %broadcast_in_dim3A_183 = vector.broadcast %jit3A_182 : i32 to vector<16xi32>
      %select_n3A_184 = arith.select %and3A_180, %broadcast_in_dim3A_183, %select_n3A_175 : vector<16xi1>, vector<16xi32>
      %gt3A_185 = arith.cmpf ogt, %exp3A_78, %select_n3A_181 : vector<16xf32>
      %ne3A_186 = arith.constant 7 : i32
      %ne3A_187 = vector.broadcast %ne3A_186 : i32 to vector<16xi32>
      %ne3A_188 = arith.cmpi ne, %select_n3A_118, %ne3A_187 : vector<16xi32>
      %and3A_189 = arith.andi %gt3A_185, %ne3A_188 : vector<16xi1>
      %select_n3A_190 = arith.select %and3A_189, %exp3A_78, %select_n3A_181 : vector<16xi1>, vector<16xf32>
      %jit3A_191 = arith.constant 7 : i32
      %broadcast_in_dim3A_192 = vector.broadcast %jit3A_191 : i32 to vector<16xi32>
      %select_n3A_193 = arith.select %and3A_189, %broadcast_in_dim3A_192, %select_n3A_184 : vector<16xi1>, vector<16xi32>
      %div3A = arith.divf %select_n3A_115, %add3A_85 : vector<16xf32>
      %div3A_194 = arith.divf %select_n3A_190, %add3A_85 : vector<16xf32>
      %reshape3A = vector.shape_cast %shift_right_arithmetic3A_6 : vector<16xi32> to vector<16x1xi32>
      %gather3A = vector.shape_cast %reshape3A : vector<16x1xi32> to vector<16xi32>
      %gather3A_195 = tpu.dynamic_gather %div3A[%gather3A] in [0] : vector<16xf32>, vector<16xi32> -> vector<16xf32>
      %reshape3A_196 = vector.shape_cast %shift_right_arithmetic3A_6 : vector<16xi32> to vector<16x1xi32>
      %gather3A_197 = vector.shape_cast %reshape3A_196 : vector<16x1xi32> to vector<16xi32>
      %gather3A_198 = tpu.dynamic_gather %div3A_194[%gather3A_197] in [0] : vector<16xf32>, vector<16xi32> -> vector<16xf32>
      %select_n3A_199 = arith.select %eq3A_4, %gather3A_195, %gather3A_198 : vector<16xi1>, vector<16xf32>
      %reshape3A_200 = vector.shape_cast %add3A_9 : vector<16xi32> to vector<16x1xi32>
      %gather3A_201 = vector.shape_cast %reshape3A_200 : vector<16x1xi32> to vector<16xi32>
      %gather3A_202 = tpu.dynamic_gather %div3A[%gather3A_201] in [0] : vector<16xf32>, vector<16xi32> -> vector<16xf32>
      %reshape3A_203 = vector.shape_cast %add3A_9 : vector<16xi32> to vector<16x1xi32>
      %gather3A_204 = vector.shape_cast %reshape3A_203 : vector<16x1xi32> to vector<16xi32>
      %gather3A_205 = tpu.dynamic_gather %div3A_194[%gather3A_204] in [0] : vector<16xf32>, vector<16xi32> -> vector<16xf32>
      %select_n3A_206 = arith.select %eq3A_4, %gather3A_202, %gather3A_205 : vector<16xi1>, vector<16xf32>
      %reshape3A_207 = vector.shape_cast %shift_right_arithmetic3A_6 : vector<16xi32> to vector<16x1xi32>
      %gather3A_208 = vector.shape_cast %reshape3A_207 : vector<16x1xi32> to vector<16xi32>
      %gather3A_209 = tpu.dynamic_gather %select_n3A_118[%gather3A_208] in [0] : vector<16xi32>, vector<16xi32> -> vector<16xi32>
      %reshape3A_210 = vector.shape_cast %shift_right_arithmetic3A_6 : vector<16xi32> to vector<16x1xi32>
      %gather3A_211 = vector.shape_cast %reshape3A_210 : vector<16x1xi32> to vector<16xi32>
      %gather3A_212 = tpu.dynamic_gather %select_n3A_193[%gather3A_211] in [0] : vector<16xi32>, vector<16xi32> -> vector<16xi32>
      %select_n3A_213 = arith.select %eq3A_4, %gather3A_209, %gather3A_212 : vector<16xi1>, vector<16xi32>
      %reshape3A_214 = vector.shape_cast %add3A_9 : vector<16xi32> to vector<16x1xi32>
      %gather3A_215 = vector.shape_cast %reshape3A_214 : vector<16x1xi32> to vector<16xi32>
      %gather3A_216 = tpu.dynamic_gather %select_n3A_118[%gather3A_215] in [0] : vector<16xi32>, vector<16xi32> -> vector<16xi32>
      %reshape3A_217 = vector.shape_cast %add3A_9 : vector<16xi32> to vector<16x1xi32>
      %gather3A_218 = vector.shape_cast %reshape3A_217 : vector<16x1xi32> to vector<16xi32>
      %gather3A_219 = tpu.dynamic_gather %select_n3A_193[%gather3A_218] in [0] : vector<16xi32>, vector<16xi32> -> vector<16xi32>
      %select_n3A_220 = arith.select %eq3A_4, %gather3A_216, %gather3A_219 : vector<16xi1>, vector<16xi32>
      %mul3A_221 = arith.constant 2 : i32
      %mul3A_222 = arith.muli %mul3A_19, %mul3A_221 : i32
      %swap3A = arith.index_cast %mul3A_222 : i32 to index
      %swap3A_223 = tpu.vector_load %arg6[%swap3A] {strides = array<i32>} : memref<2048xf32, #tpu.memory_space<vmem>>, vector<16xf32>,
      %swap3A_224 = vector.shape_cast %swap3A_223 : vector<16xf32> to vector<16xf32>
      %swap3A_225 = vector.shape_cast %select_n3A_199 : vector<16xf32> to vector<16xf32>
      tpu.vector_store %arg6[%swap3A], %swap3A_225 {strides = array<i32>} : memref<2048xf32, #tpu.memory_space<vmem>>, vector<16xf32>,
      %add3A_226 = arith.constant 16 : i32
      %add3A_227 = arith.addi %mul3A_222, %add3A_226 : i32
      %swap3A_228 = arith.index_cast %add3A_227 : i32 to index
      %swap3A_229 = tpu.vector_load %arg6[%swap3A_228] {strides = array<i32>} : memref<2048xf32, #tpu.memory_space<vmem>>, vector<16xf32>,
      %swap3A_230 = vector.shape_cast %swap3A_229 : vector<16xf32> to vector<16xf32>
      %swap3A_231 = vector.shape_cast %select_n3A_206 : vector<16xf32> to vector<16xf32>
      tpu.vector_store %arg6[%swap3A_228], %swap3A_231 {strides = array<i32>} : memref<2048xf32, #tpu.memory_space<vmem>>, vector<16xf32>,
      %swap3A_232 = arith.index_cast %mul3A_222 : i32 to index
      %swap3A_233 = tpu.vector_load %arg7[%swap3A_232] {strides = array<i32>} : memref<2048xi32, #tpu.memory_space<vmem>>, vector<16xi32>,
      %swap3A_234 = vector.shape_cast %swap3A_233 : vector<16xi32> to vector<16xi32>
      %swap3A_235 = vector.shape_cast %select_n3A_213 : vector<16xi32> to vector<16xi32>
      tpu.vector_store %arg7[%swap3A_232], %swap3A_235 {strides = array<i32>} : memref<2048xi32, #tpu.memory_space<vmem>>, vector<16xi32>,
      %add3A_236 = arith.constant 16 : i32
      %add3A_237 = arith.addi %mul3A_222, %add3A_236 : i32
      %swap3A_238 = arith.index_cast %add3A_237 : i32 to index
      %swap3A_239 = tpu.vector_load %arg7[%swap3A_238] {strides = array<i32>} : memref<2048xi32, #tpu.memory_space<vmem>>, vector<16xi32>,
      %swap3A_240 = vector.shape_cast %swap3A_239 : vector<16xi32> to vector<16xi32>
      %swap3A_241 = vector.shape_cast %select_n3A_220 : vector<16xi32> to vector<16xi32>
      tpu.vector_store %arg7[%swap3A_238], %swap3A_241 {strides = array<i32>} : memref<2048xi32, #tpu.memory_space<vmem>>, vector<16xi32>,
    }
    %scan3A_14 = arith.constant 64 : i32
    %mul3A_15 = arith.constant 2048 : i32
    %mul3A_16 = arith.muli %add3A, %mul3A_15 : i32
    "tpu.region"() ({
      %run_scoped3A = tpu.sem_alloc : memref<!tpu.dma_semaphore, #tpu.memory_space<semaphore_mem>>
      %dma_start3A = tpu.memref_slice %arg3[%mul3A_16] : memref<65536xf32, #tpu.memory_space<hbm>> -> memref<2048xf32, #tpu.memory_space<hbm>>
      %dma_start3A_17 = tpu.memref_slice %arg3[%mul3A_16] : memref<65536xf32, #tpu.memory_space<hbm>> -> memref<2048xf32, #tpu.memory_space<hbm>>
      tpu.enqueue_dma source(%arg6 : memref<2048xf32, #tpu.memory_space<vmem>>) target(%dma_start3A_17 : memref<2048xf32, #tpu.memory_space<hbm>>) target_semaphore(%run_scoped3A : memref<!tpu.dma_semaphore, #tpu.memory_space<semaphore_mem>>)
      %dma_wait3A = tpu.memref_slice %arg3[%mul3A_16] : memref<65536xf32, #tpu.memory_space<hbm>> -> memref<2048xf32, #tpu.memory_space<hbm>>
      %dma_wait3A_18 = tpu.memref_slice %arg3[%mul3A_16] : memref<65536xf32, #tpu.memory_space<hbm>> -> memref<2048xf32, #tpu.memory_space<hbm>>
      tpu.wait_dma2 semaphore(%run_scoped3A : memref<!tpu.dma_semaphore, #tpu.memory_space<semaphore_mem>>) src(%arg6 : memref<2048xf32, #tpu.memory_space<vmem>>) dst(%dma_wait3A_18 : memref<2048xf32, #tpu.memory_space<hbm>>)
      tpu.yield
    }) : () -> ()
    "tpu.region"() ({
      %run_scoped3A = tpu.sem_alloc : memref<!tpu.dma_semaphore, #tpu.memory_space<semaphore_mem>>
      %dma_start3A = tpu.memref_slice %arg4[%mul3A_16] : memref<65536xi32, #tpu.memory_space<hbm>> -> memref<2048xi32, #tpu.memory_space<hbm>>
      %dma_start3A_17 = tpu.memref_slice %arg4[%mul3A_16] : memref<65536xi32, #tpu.memory_space<hbm>> -> memref<2048xi32, #tpu.memory_space<hbm>>
      tpu.enqueue_dma source(%arg7 : memref<2048xi32, #tpu.memory_space<vmem>>) target(%dma_start3A_17 : memref<2048xi32, #tpu.memory_space<hbm>>) target_semaphore(%run_scoped3A : memref<!tpu.dma_semaphore, #tpu.memory_space<semaphore_mem>>)
      %dma_wait3A = tpu.memref_slice %arg4[%mul3A_16] : memref<65536xi32, #tpu.memory_space<hbm>> -> memref<2048xi32, #tpu.memory_space<hbm>>
      %dma_wait3A_18 = tpu.memref_slice %arg4[%mul3A_16] : memref<65536xi32, #tpu.memory_space<hbm>> -> memref<2048xi32, #tpu.memory_space<hbm>>
      tpu.wait_dma2 semaphore(%run_scoped3A : memref<!tpu.dma_semaphore, #tpu.memory_space<semaphore_mem>>) src(%arg7 : memref<2048xi32, #tpu.memory_space<vmem>>) dst(%dma_wait3A_18 : memref<2048xi32, #tpu.memory_space<hbm>>)
      tpu.yield
    }) : () -> ()
    return
  }
}

module attributes {stable_mosaic.version = 14 : i64} {
  func.func @_proj_body(%arg0: i32, %arg1: memref<8x768xf32, #tpu.memory_space<vmem>>, %arg2: memref<1024x768xf32, #tpu.memory_space<vmem>>, %arg3: memref<1x8x1024xf32, #tpu.memory_space<vmem>>) attributes {dimension_semantics = [#tpu.dimension_semantics<arbitrary>], iteration_bounds = array<i64: 32>, scalar_prefetch = 0 : i64, scratch_operands = 0 : i64, tpu.core_type = #tpu.core_type<tc>, window_params = [{pipeline_mode = #tpu.pipeline_mode<synchronous>, transform_indices = @transform_0, window_bounds = array<i64: 8, 768>}, {transform_indices = @transform_1, window_bounds = array<i64: 1024, 768>}, {transform_indices = @transform_2, window_bounds = array<i64: 1, 8, 1024>}]} {
    %get3A = arith.constant 0 : index
    %get3A_0 = arith.constant 0 : index
    %get3A_1 = vector.load %arg1[%get3A, %get3A_0] : memref<8x768xf32, #tpu.memory_space<vmem>>, vector<8x768xf32>
    %get3A_2 = arith.constant 0 : index
    %get3A_3 = arith.constant 0 : index
    %get3A_4 = vector.load %arg2[%get3A_2, %get3A_3] : memref<1024x768xf32, #tpu.memory_space<vmem>>, vector<1024x768xf32>
    %dot_general3A = arith.constant dense<0.000000e+00> : vector<8x1024xf32>
    %dot_general3A_5 = tpu.matmul %get3A_1, %get3A_4, %dot_general3A {dimension_numbers = #tpu.dot_dimension_numbers<[1], [1], [0], [0], [0, 0, 1, 0], [], []>, transpose_lhs_hint = false} : vector<8x768xf32>, vector<1024x768xf32>, vector<8x1024xf32> -> vector<8x1024xf32>
    %swap3A = arith.constant 0 : index
    %swap3A_6 = arith.constant 0 : index
    %swap3A_7 = arith.constant 0 : index
    %swap3A_8 = vector.load %arg3[%swap3A, %swap3A_6, %swap3A_7] : memref<1x8x1024xf32, #tpu.memory_space<vmem>>, vector<1x8x1024xf32>
    %swap3A_9 = vector.shape_cast %swap3A_8 : vector<1x8x1024xf32> to vector<8x1024xf32>
    %swap3A_10 = vector.shape_cast %dot_general3A_5 : vector<8x1024xf32> to vector<1x8x1024xf32>
    tpu.vector_store %arg3[%swap3A, %swap3A_6, %swap3A_7], %swap3A_10 {strides = array<i32>} : memref<1x8x1024xf32, #tpu.memory_space<vmem>>, vector<1x8x1024xf32>,
    return
  }
  func.func @transform_0(%arg0: i32) -> (i32, i32) {
    %c0_i32 = arith.constant 0 : i32
    %c0_i32_0 = arith.constant 0 : i32
    %c0_i32_1 = arith.constant 0 : i32
    return %c0_i32, %c0_i32_0 : i32, i32
  }
  func.func @transform_1(%arg0: i32) -> (i32, i32) {
    %c0_i32 = arith.constant 0 : i32
    %c0_i32_0 = arith.constant 0 : i32
    return %arg0, %c0_i32 : i32, i32
  }
  func.func @transform_2(%arg0: i32) -> (i32, i32, i32) {
    %c0_i32 = arith.constant 0 : i32
    %c0_i32_0 = arith.constant 0 : i32
    %c0_i32_1 = arith.constant 0 : i32
    return %arg0, %c0_i32, %c0_i32_0 : i32, i32, i32
  }
}

</mosaic_0001>

<sc_bundles>
// kernel: kernel.4.cloned.1.call-start
scs
__scs_entry_jumppad:
0x0: {  	(pc) =	sbr.rel $0x88, $3  }
0x1: {  	(tag) =	ssettag $0x0;
	lr =	simm.s32 $0x1  }
0x2: {  	[smem:$0x3F9F] =	sst lr;
	_ =	strace $0xD0000000  }
0x3: {  	_ = 	snop  }
0x4: {  	_ = 	snop  }
0x5: {  	_ = 	snop  }
0x6: {  	_ = 	snop  }
0x7: {  	_ = 	snop  }
__scs_overlays_trampoline_lowered:
0x8: {  	[smem:$0x3FAE] =	sst s0  }
0x9: {  	[smem:$0x3FAF] =	sst s1  }
0xa: {  	[smem:$0x3FB0] =	sst s2  }
0xb: {  	[smem:$0x3FB1] =	sst s3  }
0xc: {  	[smem:$0x3FB2] =	sst s4  }
0xd: {  	[smem:$0x3FB3] =	sst s5  }
0xe: {  	[smem:$0x3FB4] =	sst s6  }
0xf: {  	[smem:$0x3FB5] =	sst s7  }
0x10: {  	[smem:$0x3FB6] =	sst s8  }
0x11: {  	[smem:$0x3FB7] =	sst s9;
	s0 =	simm.s32 @!p0 $0x0  }
0x12: {  	s1 =	sld [smem:$0x3F9D];
	s0 =	simm.s32 @p0 $0x1  }
0x13: {  	[smem:$0x3FB8] =	sst s0;
	s0 =	simm.s32 @!p1 $0x0  }
0x14: {  	s2 =	sld [smem:$0x3F9C];
	s0 =	simm.s32 @p1 $0x1  }
0x15: {  	[smem:$0x3FB9] =	sst s0;
	s0 =	simm.s32 @!p2 $0x0  }
0x16: {  	s3 =	sld [smem:$0x3FDB];
	s0 =	simm.s32 @p2 $0x1  }
0x17: {  	s4 =	simm.s32 $0x1BF5;
	[smem:$0x3FBB] =	sst s0  }
0x18: {  	s0 =	sld [smem:$0x3F9E];
	_ =	swait.ge [sflag:s4], $0x0  }
0x19: {  	s7 =	sld [smem:$0x3F9F]  }
0x1a: {  	s8 =	sadd.s32 $0xFFFFE003, lr  }
0x1b: {  	s9 =	sadd.s32 $0xFFFFFEF7, lr;
	s5 =	simm.s32 $0xFFFFFFFF;
	p2 =	slt.u32 s8, $0xFFFFF086  }
0x1c: {  	p1 =	slt.u32 s9, $0xF7A;
	s5 =	simm.s32 @!p2 $0x0  }
0x1d: {  	s5 =	simm.s32 @p1 $0x1;
	p0 =	seq.s32 s7, s2  }
0x1e: {  	s7 =	smul.u32 @!p0 $0xF7A, s2;
	p2 =	seq.s32 @!p0 s5, $0x0  }
0x1f: {  	s9 =	smul.u32 $0xF7A, s1;
	s8 =	simm.s32 @!p0 $0x1BF5;
	p2 =	por !p2, p0  }
0x20: {  	[sflag:s8] =	ssyncset.s32 @!p0 $0xFFFFF086;
	s6 =	sadd.s32 @!p0 s3, s7;
	s7 =	simm.s32 @!p0 $0x108  }
0x21: {  	s3 =	sadd.s32 s3, s9;
	s6 =	sadd.s32 @!p0 $0x88, s6;
	s7 =	simm.s32 @p2 $0x1082  }
0x22: {  	[simem:s7], [sflag:s8] =	dma.local @!p0 [hbm:s6], $0xF7A  }
0x23: {  	s9 =	sor.u32 $0xD0000000, s2;
	s6 =	simm.s32 $0x108;
	_ =	swait.ge @!p0 [sflag:s8], $0x0  }
0x24: {  	s3 =	sadd.s32 $0x88, s3;
	s6 =	simm.s32 @!p1 $0x1082;
	[sflag:s4] =	ssyncset.s32 $0xFFFFF086  }
0x25: {  	[simem:s6], [sflag:s4] =	dma.local [hbm:s3], $0xF7A  }
0x26: {  	[smem:$0x3F9F] =	sst s1;
	(tag) =	ssettag s2;
	_ =	strace s9  }
0x27: {  	s1 =	sld [smem:$0x3FAF]  }
0x28: {  	s2 =	sld [smem:$0x3FB0]  }
0x29: {  	s4 =	sld [smem:$0x3FB2]  }
0x2a: {  	p0 =	seq.s32 s5, $0x0;
	s5 =	sld [smem:$0x3FB3]  }
0x2b: {  	s6 =	sld [smem:$0x3FB4]  }
0x2c: {  	s7 =	sld [smem:$0x3FB5]  }
0x2d: {  	s3 =	simm.s32 $0x108;
	s8 =	sld [smem:$0x3FB6]  }
0x2e: {  	s3 =	simm.s32 @!p0 $0x1082;
	s9 =	sld [smem:$0x3FB7]  }
0x2f: {  	lr =	sadd.s32 s0, s3;
	s0 =	sld [smem:$0x3FAE]  }
0x30: {  	s3 =	sld [smem:$0x3FB1]  }
0x31: {  	[smem:$0x3FBA] =	sst s10  }
0x32: {  	s10 =	sld [smem:$0x3FB8];
	_ =	sdelay $0x3  }
0x33: {  	p0 =	seq.s32 s10, $0x1;
	s10 =	sld [smem:$0x3FBA];
	_ =	sdelay $0x3  }
0x34: {  	[smem:$0x3FBA] =	sst s10  }
0x35: {  	s10 =	sld [smem:$0x3FB9];
	_ =	sdelay $0x3  }
0x36: {  	p1 =	seq.s32 s10, $0x1;
	s10 =	sld [smem:$0x3FBA];
	_ =	sdelay $0x3  }
0x37: {  	[smem:$0x3FBA] =	sst s10  }
0x38: {  	s10 =	sld [smem:$0x3FBB]  }
0x39: {  	_ = 	snop;
	(pc) =	sbr.ind lr, $3  }
0x3a: {  	_ = 	snop  }
0x3b: {  	_ = 	snop  }
0x3c: {  	p2 =	seq.s32 s10, $0x1;
	s10 =	sld [smem:$0x3FBA]  }
0x3d: {  	_ =	shalt  }
0x3e: {  	_ =	shalt  }
0x3f: {  	_ =	shalt  }
0x40: {  	_ =	shalt  }
0x41: {  	_ =	shalt  }
0x42: {  	_ =	shalt  }
0x43: {  	_ =	shalt  }
0x44: {  	_ =	shalt  }
0x45: {  	_ =	shalt  }
0x46: {  	_ =	shalt  }
0x47: {  	_ =	shalt  }
0x48: {  	_ =	shalt  }
0x49: {  	_ =	shalt  }
0x4a: {  	_ =	shalt  }
0x4b: {  	_ =	shalt  }
0x4c: {  	_ =	shalt  }
0x4d: {  	_ =	shalt  }
0x4e: {  	_ =	shalt  }
0x4f: {  	_ =	shalt  }
0x50: {  	_ =	shalt  }
0x51: {  	_ =	shalt  }
0x52: {  	_ =	shalt  }
0x53: {  	_ =	shalt  }
0x54: {  	_ =	shalt  }
0x55: {  	_ =	shalt  }
0x56: {  	_ =	shalt  }
0x57: {  	_ =	shalt  }
0x58: {  	_ =	shalt  }
0x59: {  	_ =	shalt  }
0x5a: {  	_ =	shalt  }
0x5b: {  	_ =	shalt  }
0x5c: {  	_ =	shalt  }
0x5d: {  	_ =	shalt  }
0x5e: {  	_ =	shalt  }
0x5f: {  	_ =	shalt  }
0x60: {  	_ =	shalt  }
0x61: {  	_ =	shalt  }
0x62: {  	_ =	shalt  }
0x63: {  	_ =	shalt  }
0x64: {  	_ =	shalt  }
0x65: {  	_ =	shalt  }
0x66: {  	_ =	shalt  }
0x67: {  	_ =	shalt  }
0x68: {  	_ =	shalt  }
0x69: {  	_ =	shalt  }
0x6a: {  	_ =	shalt  }
0x6b: {  	_ =	shalt  }
0x6c: {  	_ =	shalt  }
0x6d: {  	_ =	shalt  }
0x6e: {  	_ =	shalt  }
0x6f: {  	_ =	shalt  }
0x70: {  	_ =	shalt  }
0x71: {  	_ =	shalt  }
0x72: {  	_ =	shalt  }
0x73: {  	_ =	shalt  }
0x74: {  	_ =	shalt  }
0x75: {  	_ =	shalt  }
0x76: {  	_ =	shalt  }
0x77: {  	_ =	shalt  }
0x78: {  	_ =	shalt  }
0x79: {  	_ =	shalt  }
0x7a: {  	_ =	shalt  }
0x7b: {  	_ =	shalt  }
0x7c: {  	_ =	shalt  }
0x7d: {  	_ =	shalt  }
0x7e: {  	_ =	shalt  }
0x7f: {  	_ =	shalt  }
0x80: {  	_ =	shalt  }
0x81: {  	_ =	shalt  }
0x82: {  	_ =	shalt  }
0x83: {  	_ =	shalt  }
0x84: {  	_ =	shalt  }
0x85: {  	_ =	shalt  }
0x86: {  	_ =	shalt  }
0x87: {  	_ =	shalt  }
.Lfunc_end0:
.L_simem_size_0:
called_computation_lowered:
.L_overlay_start_0:
0x88: {  	s2 =	sld [smem:$0x3FD9]  }
0x89: {  	s3 =	sld [smem:$0x3FFE];
	_ =	sdelay $0x1  }
0x8a: {  	s1 =	srdreg.scid  }
0x8b: {  	s0 =	sand.u32 $0x1, s1  }
0x8c: {  	s14 =	sshll.u32 s0, $0xA;
	s2 =	sadd.s32 s3, s2  }
0x8d: {  	s2 =	sadd.s32 s2, s14  }
0x8e: {  	[smem:$0x3FC6] =	sst s2  }
0x8f: {  	_ = 	snop  }
0x90: {  	s2 =	sld [smem:$0x3FD0];
	_ =	sdelay $0x2  }
0x91: {  	s15 =	simm.s32 $0xA;
	s4 =	simm.s32 $0x10  }
0x92: {  	[smem:s4], [sflag:s15] =	dma.local [hbm:s2], $0x1  }
0x93: {  	_ =	swait.eq [sflag:s15], $0x1  }
0x94: {  	[sflag:s15] =	ssyncset.done $0x0  }
0x95: {  	s16 =	sld [smem:$0x11];
	[sflag:s15] =	ssyncadd.s32 $0xFFFFFFFF  }
0x96: {  	s17 =	sld [smem:$0x12];
	(tm) =	ssettm $0x1  }
0x97: {  	s18 =	sld [smem:$0x3FFB];
	_ =	sdelay $0x3  }
0x98: {  	_ =	strace s18  }
0x99: {  	s4 =	sld [smem:$0x3FFC];
	_ =	sdelay $0x3  }
0x9a: {  	_ =	strace s4  }
0x9b: {  	s4 =	sld [smem:$0x3FFD];
	_ =	sdelay $0x3  }
0x9c: {  	_ =	strace s4  }
0x9d: {  	_ =	strace $0x8FFFFFFF  }
0x9e: {  	s19 =	sld [smem:$0x3FDB];
	_ =	sdelay $0x1  }
0x9f: {  	s5 =	simm.s32 $_scs_section_size  }
0xa0: {  	s6 =	simm.s32 $_size__tile_overlayer_lowered;
	s7 =	simm.s32 $_tile_overlayer_lowered  }
0xa1: {  	s22 =	simm.s32 $0x1BFF;
	s21 =	sshll.u32 s7, $0x1;
	s4 =	sadd.s32 s5, s19  }
0xa2: {  	s8 =	simm.s32 $0x0;
	s20 =	sshll.u32 s6, $0x1;
	s6 =	sadd.s32 s21, s4  }
0xa3: {  	[timem:s8], [sflag:s22] =	dma.local [hbm:s6], s20  }
0xa4: {  	_ =	swait.ge [sflag:s22], s20  }
0xa5: {  	s5 =	ssub.s32 $0x0, s20;
	[sflag:s22] =	ssyncset.done $0x0  }
0xa6: {  	[sflag:s22] =	ssyncadd.s32 s5;
	_ =	sdelay $0x1  }
0xa7: {  	s23 =	simm.s32 $0x1B8B  }
0xa8: {  	_ =	swait.ge [sflag:s23], $0x1  }
0xa9: {  	[sflag:s23] =	ssyncset.done $0x0  }
0xaa: {  	s25 =	simm.s32 $0x1B8E;
	s24 =	sld [smem:$0x3FFE];
	[sflag:s23] =	ssyncadd.s32 $0xFFFFFFFF  }
0xab: {  	s26 =	simm.s32 $execute0_lowered;
	[smem:$0x3FD2] =	sst s25  }
0xac: {  	s6 =	sshll.u32 s26, $0x1;
	_ =	strace $0x80000046;
	[dreg:$0x1] =	wrdreg $0xFFFFFFFF  }
0xad: {  	s28 =	simm.s32 $_size_execute0_lowered;
	s4 =	sadd.s32 s4, s6;
	[dreg:$0x0] =	wrdreg $0x0  }
0xae: {  	s6 =	sshll.u32 s28, $0x1;
	[dreg:$0x2] =	wrdreg s4  }
0xaf: {  	[dreg:$0x3] =	wrdreg s6  }
0xb0: {  	[dreg:$0x4] =	wrdreg $0xC0  }
0xb1: {  	_ =	task [dreg:s8], $0x5FFFF  }
0xb2: {  	[dreg:$0x1] =	wrdreg $0xFFFFFFFF  }
0xb3: {  	[dreg:$0x0] =	wrdreg $0x60  }
0xb4: {  	[dreg:$0x2] =	wrdreg s24  }
0xb5: {  	[dreg:$0x3] =	wrdreg s16  }
0xb6: {  	[dreg:$0x4] =	wrdreg s17  }
0xb7: {  	[dreg:$0x5] =	wrdreg $0x9  }
0xb8: {  	_ =	task.clear_ibuf [dreg:s8], $0x6FFFF;
	_ =	strace $0x90000046  }
0xb9: {  	s29 =	simm.s32 $0x9;
	_ =	strace $0x80000048  }
0xba: {  	_ =	swait.ge [sflag:s29], $0x1  }
0xbb: {  	[sflag:s29] =	ssyncadd.s32 $0xFFFFFFFF  }
0xbc: {  	_ =	strace $0x90000048  }
0xbd: {  	_ =	sfence  }
0xbe: {  	s30 =	sld [smem:$0x0];
	_ =	sdelay $0x2  }
0xbf: {  	s31 =	sshll.u32 s1, $0xD;
	s1 =	sshrl.u32 s1, $0x2  }
0xc0: {  	s3 =	sand.u32 $0x4000, s31;
	s1 =	sadd.s32 s1, s30  }
0xc1: {  	s0 =	sor.u32 s3, s0;
	s1 =	sshll.u32 s1, $0x11  }
0xc2: {  	s0 =	sor.u32 s1, s0  }
0xc3: {  	s0 =	sadd.s32 $0x8F2B, s0  }
0xc4: {  	[sflag:s0] =	ssyncadd.remote.s32 $0x1  }
0xc5: {  	_ =	sfence.sel $0xFFFF  }
0xc6: {  	[dreg:$0x0] =	wrdreg $0xFFFFFFFF;
	(pc) =	sbr.abs _section_cstart, $3  }
0xc7: {  	[dreg:$0x1] =	wrdreg $0xFFFFFFFF  }
0xc8: {  	_ =	task.clear_ibuf [dreg:s8], $0x2FFFF;
	_ =	strace $0x9FFFFFFF  }
0xc9: {  	(tm) =	ssettm $0x7FFFFFFF  }
tec
execute0_lowered:
.L_overlay_start_1:
0x0: {  	(tag) =	ssettag $0x1  }
0x1: {  	s3 =	rddreg [dreg:$0x0]  }
0x2: {  	s4 =	rddreg [dreg:$0x1]  }
0x3: {  	s5 =	rddreg [dreg:$0x2]  }
0x4: {  	s0 =	rddreg [dreg:$0x3];
	s6 =	srdreg.scid;
	vm0 =	vcmask $0xB08;
	vm1 =	vcmask $0x300  }
0x5: {  	s1 =	stileid.u32;
	s2 =	simm.s32 $0x0;
	s9 =	simm.s32 $0x2800;
	vm0 =	vmor vm1, vm0;
	vm1 =	vcmask $0x1310  }
0x6: {  	s10 =	simm.s32 $0x0;
	s6 =	sand.u32 $0x1, s6;
	s7 =	sshll.u32 s1, $0x1;
	vm0 =	vmor vm0, vm1;
	vm1 =	vcmask $0x1B18  }
0x7: {  	[smem:$0x7FF] =	sst s2;
	s7 =	sor.u32 s6, s7;
	s6 =	ssub.s32 $0x2, s6;
	vm0 =	vmor vm0, vm1;
	vm1 =	vcmask $0x2320  }
0x8: {  	_ =	strace $0x80000047;
	s8 =	sshll.u32 s7, $0xA;
	s31 =	sshrl.u32 s6, $0x1;
	vm0 =	vmor vm0, vm1;
	vm1 =	vcmask $0x2B28  }
0x9: {  	v0 =	vlaneseq.u32;
	s7 =	sshll.u32 s7, $0x8;
	s3 =	sadd.s32 s8, s3;
	s6 =	ssub.s32 s6, s31;
	vm0 =	vmor vm0, vm1;
	vm1 =	vcmask $0x3330  }
0xa: {  	v0 =	vshrl.u32 v0, $0x1;
	s4 =	sadd.s32 s4, s7;
	s5 =	sadd.s32 s5, s7;
	s7 =	simm.s32 $0x1;
	vm0 =	vmor vm0, vm1;
	vm1 =	vcmask $0x3B38  }
0xb: {  	v1 =	vimm.s32 $0x0;
	v2 =	vor.u32 $0x8, v0;
	s8 =	simm.s32 $0x2000;
	s3 =	sadd.s32 $0xA00, s3;
	s6 =	smax.u32 s6, $0x1;
	vm0 =	vmor vm0, vm1  }
.LBB2_1:
0xc: {  	[tilespmem:s2], [sflag:$0x1] =	stream.linear.gather [hbm4b:s3+s2], $0x2000, $0x38;
	[tilespmem:$0x3000] =	vst v63  }
0xd: {  	_ =	swait.ge [sflag:s7], $0x2000  }
0xe: {  	s11 =	sand.u32 $0x70, s2;
	s12 =	sand.u32 $0x1C00, s2;
	[sflag:s7] =	ssyncset.done $0x0  }
0xf: {  	s11 =	sor.u32 s11, s12;
	[sflag:s7] =	ssyncadd.s32 $0xFFFFE000  }
0x10: {  	v3 =	vld [tilespmem:s11+$0x0]  }
0x11: {  	v4 =	vld [tilespmem:s11+$0x80]  }
0x12: {  	v5 =	vld [tilespmem:s11+$0x100]  }
0x13: {  	v6 =	vld [tilespmem:s11+$0x180]  }
0x14: {  	v7 =	vld [tilespmem:s11+$0x200]  }
0x15: {  	s30 =	sor.u32 s2, s2;
	v8 =	vld [tilespmem:s11+$0x280]  }
0x16: {  	s31 =	sor.u32 $0x380, s30;
	v9 =	vld [tilespmem:s11+$0x300];
	v10 =	vmax.f32 v3, v4  }
0x17: {  	v11 =	vld [tilespmem:s31+$0x0];
	v10 =	vmax.f32 v10, v5  }
0x18: {  	v10 =	vmax.f32 v10, v6  }
0x19: {  	v10 =	vmax.f32 v10, v7  }
0x1a: {  	v10 =	vmax.f32 v10, v8  }
0x1b: {  	v10 =	vmax.f32 v10, v9  }
0x1c: {  	v10 =	vmax.f32 v10, v11  }
0x1d: {  	v3 =	vsub.f32 v3, v10  }
0x1e: {  	v4 =	vsub.f32 v4, v10  }
0x1f: {  	v3 =	vmul.f32 $1.442695020e+00, v3  }
0x20: {  	v5 =	vsub.f32 v5, v10;
	v4 =	vmul.f32 $1.442695020e+00, v4  }
0x21: {  	(erf) = vpow2.f32 v3  }
0x22: {  	v5 =	vmul.f32 $1.442695020e+00, v5;
	v3 =	vsub.f32 v6, v10;
	(erf) = vpow2.f32 v4;
	_ =	sdelay $0x1  }
0x23: {  	v4 =	vsub.f32 v7, v10;
	v3 =	vmul.f32 $1.442695020e+00, v3;
	(erf) = vpow2.f32 v5  }
0x24: {  	v5 =	vsub.f32 v8, v10  }
0x25: {  	v4 =	vmul.f32 $1.442695020e+00, v4;
	(erf) = vpow2.f32 v3  }
0x26: {  	v5 =	vmul.f32 $1.442695020e+00, v5  }
0x27: {  	v3 =	vsub.f32 v9, v10;
	(erf) = vpow2.f32 v4  }
0x28: {  	v4 =	vsub.f32 v11, v10  }
0x29: {  	v3 =	vmul.f32 $1.442695020e+00, v3;
	v6 =	vpop (erf);
	(erf) = vpow2.f32 v5  }
0x2a: {  	v4 =	vmul.f32 $1.442695020e+00, v4;
	v5 =	vpop (erf)  }
0x2b: {  	(erf) = vpow2.f32 v3;
	vm1 =	vgt.f32 v5, v6  }
0x2c: {  	v7 =	vpop (erf);
	v3 =	vsel vm1, v5, v6  }
0x2d: {  	(erf) = vpow2.f32 v4;
	vm2 =	vgt.f32 v7, v3  }
0x2e: {  	v4 =	vpop (erf);
	v3 =	vsel vm2, v7, v3  }
0x2f: {  	vm3 =	vgt.f32 v4, v3  }
0x30: {  	v8 =	vpop (erf);
	v3 =	vsel vm3, v4, v3  }
0x31: {  	vm4 =	vgt.f32 v8, v3  }
0x32: {  	v3 =	vsel vm4, v8, v3;
	v9 =	vpop (erf)  }
0x33: {  	v10 =	vsel vm1, $0x1, v1;
	vm1 =	vgt.f32 v9, v3  }
0x34: {  	v10 =	vsel vm2, $0x2, v10;
	v11 =	vpop (erf);
	v3 =	vsel vm1, v9, v3  }
0x35: {  	v10 =	vsel vm3, $0x3, v10;
	vm2 =	vgt.f32 v11, v3  }
0x36: {  	v10 =	vsel vm4, $0x4, v10;
	v12 =	vpop (erf);
	v3 =	vsel vm2, v11, v3  }
0x37: {  	v10 =	vsel vm1, $0x5, v10;
	vm1 =	vgt.f32 v12, v3  }
0x38: {  	v10 =	vsel vm2, $0x6, v10;
	vm1 =	vmneg vm1  }
0x39: {  	v10 =	vnsel vm1, $0x7, v10  }
0x3a: {  	v13 =	vadd.f32 v5, v6;
	vm2 =	vgt.f32 v6, $-1.000000000e+00;
	vm3 =	vne.s32 v10, $0x0  }
0x3b: {  	vm2 =	vmand vm2, vm3  }
0x3c: {  	v13 =	vadd.f32 v13, v7;
	v6 =	vnsel vm2, $0xBF800000, v6  }
0x3d: {  	vm3 =	vne.s32 v10, $0x1;
	vm2 =	vgt.f32 v5, v6  }
0x3e: {  	v13 =	vadd.f32 v13, v4;
	vm2 =	vmand vm3, vm2  }
0x3f: {  	v5 =	vsel vm2, v5, v6  }
0x40: {  	vm11 =	vne.s32 v10, $0x2;
	v6 =	vadd.f32 v13, v8;
	vm3 =	vgt.f32 v7, v5  }
0x41: {  	vm3 =	vmand vm11, vm3  }
0x42: {  	v6 =	vadd.f32 v6, v9;
	v5 =	vsel vm3, v7, v5  }
0x43: {  	vm5 =	vne.s32 v10, $0x3;
	vm12 =	vgt.f32 v4, v5  }
0x44: {  	v6 =	vadd.f32 v6, v11;
	vm4 =	vmand vm5, vm12  }
0x45: {  	v4 =	vsel vm4, v4, v5  }
0x46: {  	vm6 =	vne.s32 v10, $0x4;
	v5 =	vadd.f32 v6, v12;
	vm13 =	vgt.f32 v8, v4  }
0x47: {  	vm5 =	vmand vm6, vm13  }
0x48: {  	(erf) = vrcp.f32 v5;
	v4 =	vsel vm5, v8, v4  }
0x49: {  	vm7 =	vne.s32 v10, $0x5;
	vm14 =	vgt.f32 v9, v4  }
0x4a: {  	vm6 =	vmand vm7, vm14  }
0x4b: {  	v4 =	vsel vm6, v9, v4  }
0x4c: {  	vm15 =	vne.s32 v10, $0x6;
	v5 =	vsel vm2, $0x1, v1;
	vm2 =	vgt.f32 v11, v4  }
0x4d: {  	v5 =	vsel vm3, $0x2, v5;
	vm2 =	vmand vm15, vm2  }
0x4e: {  	v5 =	vsel vm4, $0x3, v5;
	v4 =	vsel vm2, v11, v4  }
0x4f: {  	v6 =	vsel vm1, v3, v12;
	v5 =	vsel vm5, $0x4, v5;
	vm3 =	vgt.f32 v12, v4  }
0x50: {  	v3 =	vperm.xlane v10, v2;
	v5 =	vsel vm6, $0x5, v5;
	vm1 =	vmand vm1, vm3  }
0x51: {  	v5 =	vsel vm2, $0x6, v5;
	v9 =	vpop (erf);
	v8 =	vsel vm1, v12, v4;
	v4 =	vperm.xlane v10, v0  }
0x52: {  	v10 =	vsel vm1, $0x7, v5;
	v7 =	vmul.f32 v6, v9;
	v5 =	vmul.f32 v8, v9  }
0x53: {  	s13 =	simm.s32 $0x0;
	s12 =	simm.s32 $0x0;
	s11 =	simm.s32 $0x10;
	v8 =	vperm.xlane v10, v0;
	v6 =	vperm.xlane v10, v2  }
.LBB2_2:
0x54: {  	p0 =	sne.s32 s11, $0x3F0  }
0x55: {  	v9 =	vperm.xlane v7, v0;
	v7 =	vperm.xlane v7, v2;
	s13 =	sadd.s32 $0x80, s13;
	s14 =	smov.u32 s11;
	s11 =	sadd.s32 $0x10, s11  }
0x56: {  	v10 =	vperm.xlane v5, v0;
	v5 =	vperm.xlane v5, v2;
	s15 =	sshra.s32 s12, $0x2;
	v4 =	vsel vm0, v4, v8;
	s12 =	smov.u32 s13  }
0x57: {  	v3 =	vsel vm0, v3, v6;
	[tilespmem:s15+$0x2800] =	vst v4  }
0x58: {  	s16 =	sand.u32 $0x70, s14;
	s17 =	sand.u32 $0x1C00, s13;
	v4 =	vsel vm0, v9, v10;
	v5 =	vsel vm0, v7, v5;
	[tilespmem:s15+$0x2810] =	vst v3  }
0x59: {  	s16 =	sor.u32 s16, s17;
	[tilespmem:s15+$0x2000] =	vst v4  }
0x5a: {  	[tilespmem:s15+$0x2010] =	vst v5  }
0x5b: {  	v3 =	vld [tilespmem:s16+$0x0]  }
0x5c: {  	v4 =	vld [tilespmem:s16+$0x80]  }
0x5d: {  	v5 =	vld [tilespmem:s16+$0x100]  }
0x5e: {  	v6 =	vld [tilespmem:s16+$0x180]  }
0x5f: {  	v7 =	vld [tilespmem:s16+$0x200]  }
0x60: {  	s14 =	sor.u32 s13, s14;
	v8 =	vld [tilespmem:s16+$0x280]  }
0x61: {  	s14 =	sor.u32 $0x380, s14;
	v9 =	vld [tilespmem:s16+$0x300];
	v10 =	vmax.f32 v3, v4  }
0x62: {  	v11 =	vld [tilespmem:s14+$0x0];
	v10 =	vmax.f32 v10, v5  }
0x63: {  	v10 =	vmax.f32 v10, v6  }
0x64: {  	v10 =	vmax.f32 v10, v7  }
0x65: {  	v10 =	vmax.f32 v10, v8  }
0x66: {  	v10 =	vmax.f32 v10, v9  }
0x67: {  	v10 =	vmax.f32 v10, v11  }
0x68: {  	v3 =	vsub.f32 v3, v10;
	v4 =	vsub.f32 v4, v10  }
0x69: {  	v5 =	vsub.f32 v5, v10;
	v6 =	vsub.f32 v6, v10  }
0x6a: {  	v7 =	vsub.f32 v7, v10;
	v3 =	vmul.f32 $1.442695020e+00, v3;
	v4 =	vmul.f32 $1.442695020e+00, v4  }
0x6b: {  	v8 =	vsub.f32 v8, v10;
	v5 =	vmul.f32 $1.442695020e+00, v5;
	v6 =	vmul.f32 $1.442695020e+00, v6  }
0x6c: {  	v9 =	vsub.f32 v9, v10;
	v7 =	vmul.f32 $1.442695020e+00, v7;
	(erf) = vpow2.f32 v3  }
0x6d: {  	v3 =	vmul.f32 $1.442695020e+00, v8;
	v8 =	vsub.f32 v11, v10;
	(erf) = vpow2.f32 v4  }
0x6e: {  	v4 =	vmul.f32 $1.442695020e+00, v9  }
0x6f: {  	v8 =	vmul.f32 $1.442695020e+00, v8;
	(erf) = vpow2.f32 v5;
	_ =	sdelay $0x1  }
0x70: {  	(erf) = vpow2.f32 v6;
	_ =	sdelay $0x1  }
0x71: {  	(erf) = vpow2.f32 v7;
	_ =	sdelay $0x1  }
0x72: {  	v5 =	vpop (erf);
	(erf) = vpow2.f32 v3  }
0x73: {  	v6 =	vpop (erf)  }
0x74: {  	v3 =	vadd.f32 v6, v5;
	vm1 =	vgt.f32 v6, v5;
	(erf) = vpow2.f32 v4  }
0x75: {  	v4 =	vsel vm1, v6, v5;
	v7 =	vpop (erf)  }
0x76: {  	v3 =	vadd.f32 v3, v7;
	vm2 =	vgt.f32 v7, v4;
	(erf) = vpow2.f32 v8  }
0x77: {  	v4 =	vsel vm2, v7, v4;
	v8 =	vpop (erf)  }
0x78: {  	v3 =	vadd.f32 v3, v8;
	vm3 =	vgt.f32 v8, v4  }
0x79: {  	v4 =	vsel vm3, v8, v4;
	v9 =	vpop (erf)  }
0x7a: {  	v3 =	vadd.f32 v3, v9;
	vm4 =	vgt.f32 v9, v4  }
0x7b: {  	v4 =	vsel vm4, v9, v4;
	v10 =	vpop (erf)  }
0x7c: {  	v11 =	vsel vm1, $0x1, v1;
	v3 =	vadd.f32 v3, v10;
	vm1 =	vgt.f32 v10, v4  }
0x7d: {  	v11 =	vsel vm2, $0x2, v11;
	v4 =	vsel vm1, v10, v4;
	v12 =	vpop (erf)  }
0x7e: {  	v11 =	vsel vm3, $0x3, v11;
	v3 =	vadd.f32 v3, v12;
	vm2 =	vgt.f32 v12, v4  }
0x7f: {  	v11 =	vsel vm4, $0x4, v11;
	v4 =	vsel vm2, v12, v4;
	v13 =	vpop (erf)  }
0x80: {  	v14 =	vadd.f32 v3, v13;
	v3 =	vsel vm1, $0x5, v11;
	vm1 =	vgt.f32 v13, v4  }
0x81: {  	v3 =	vsel vm2, $0x6, v3;
	vm1 =	vmneg vm1  }
0x82: {  	v11 =	vsel vm1, v4, v13;
	v4 =	vnsel vm1, $0x7, v3  }
0x83: {  	vm2 =	vgt.f32 v5, $-1.000000000e+00;
	vm3 =	vne.s32 v4, $0x0;
	v3 =	vperm.xlane v4, v2  }
0x84: {  	vm2 =	vmand vm2, vm3  }
0x85: {  	v5 =	vnsel vm2, $0xBF800000, v5  }
0x86: {  	vm3 =	vne.s32 v4, $0x1;
	vm2 =	vgt.f32 v6, v5  }
0x87: {  	vm2 =	vmand vm3, vm2  }
0x88: {  	v5 =	vsel vm2, v6, v5  }
0x89: {  	vm4 =	vne.s32 v4, $0x2;
	vm3 =	vgt.f32 v7, v5  }
0x8a: {  	vm3 =	vmand vm4, vm3  }
0x8b: {  	v5 =	vsel vm3, v7, v5  }
0x8c: {  	vm5 =	vne.s32 v4, $0x3;
	vm4 =	vgt.f32 v8, v5  }
0x8d: {  	vm4 =	vmand vm5, vm4  }
0x8e: {  	v5 =	vsel vm4, v8, v5  }
0x8f: {  	vm6 =	vne.s32 v4, $0x4;
	vm5 =	vgt.f32 v9, v5  }
0x90: {  	v6 =	vsel vm2, $0x1, v1;
	vm2 =	vmand vm6, vm5  }
0x91: {  	v6 =	vsel vm3, $0x2, v6;
	v5 =	vsel vm2, v9, v5;
	(erf) = vrcp.f32 v14  }
0x92: {  	v6 =	vsel vm4, $0x3, v6;
	vm4 =	vne.s32 v4, $0x5;
	vm3 =	vgt.f32 v10, v5  }
0x93: {  	v6 =	vsel vm2, $0x4, v6;
	vm2 =	vmand vm4, vm3  }
0x94: {  	v5 =	vsel vm2, v10, v5;
	v6 =	vsel vm2, $0x5, v6  }
0x95: {  	vm3 =	vne.s32 v4, $0x6;
	vm2 =	vgt.f32 v12, v5  }
0x96: {  	vm2 =	vmand vm3, vm2  }
0x97: {  	v5 =	vsel vm2, v12, v5;
	v6 =	vsel vm2, $0x6, v6  }
.Ltmp0:
0x98: {  	vm2 =	vgt.f32 v13, v5;
	(pc) =	sbr.rel @p0 .LBB2_2-.Ltmp0, $4  }
0x99: {  	vm1 =	vmand vm1, vm2  }
0x9a: {  	v4 =	vperm.xlane v4, v0;
	v5 =	vsel vm1, v13, v5;
	v6 =	vsel vm1, $0x7, v6;
	v8 =	vpop (erf)  }
0x9b: {  	v7 =	vmul.f32 v11, v8;
	v5 =	vmul.f32 v5, v8  }
0x9c: {  	v8 =	vperm.xlane v6, v0;
	v6 =	vperm.xlane v6, v2  }
0x9d: {  	_ = 	snop  }
0x9e: {  	v9 =	vperm.xlane v7, v0;
	v10 =	vperm.xlane v5, v0;
	s11 =	sshra.s32 s12, $0x2;
	v4 =	vsel vm0, v4, v8  }
0x9f: {  	v61 =	vperm.xlane v7, v2;
	v62 =	vperm.xlane v5, v2;
	v3 =	vsel vm0, v3, v6;
	[tilespmem:s11+$0x2800] =	vst v4  }
0xa0: {  	v63 =	vsel vm0, v9, v10;
	[tilespmem:s11+$0x2810] =	vst v3  }
0xa1: {  	v3 =	vsel vm0, v61, v62;
	[tilespmem:s11+$0x2000] =	vst v63  }
0xa2: {  	[tilespmem:s11+$0x2010] =	vst v3  }
0xa3: {  	[hbm4b:s4+s2] =	stream.linear.scatter [tilespmem:s8], [sflag:$0x1], $0x800, $0x38;
	[tilespmem:$0x3000] =	vst v63  }
0xa4: {  	s10 =	sadd.s32 $0x1, s10;
	_ =	swait.ge [sflag:s7], $0x800  }
0xa5: {  	p0 =	sne.s32 s10, s6;
	[sflag:s7] =	ssyncset.done $0x0  }
.Ltmp1:
0xa6: {  	[sflag:s7] =	ssyncadd.s32 $0xFFFFF800;
	(pc) =	sbr.rel @p0 .LBB2_1-.Ltmp1, $4  }
0xa7: {  	[hbm4b:s5+s2] =	stream.linear.scatter [tilespmem:s9], [sflag:$0x1], $0x800, $0x38;
	[tilespmem:$0x3000] =	vst v63  }
0xa8: {  	_ =	swait.ge [sflag:s7], $0x800  }
0xa9: {  	[sflag:s7] =	ssyncset.done $0x0  }
0xaa: {  	[sflag:s7] =	ssyncadd.s32 $0xFFFFF800  }
0xab: {  	_ =	sfence.sel $0x180000  }
0xac: {  	[bflag:$0x0] =	sbarrier.arrive $0xFFFF  }
0xad: {  	p0 =	sne.s32 s1, $0x0;
	_ =	strace $0x90000047  }
0xae: {  	s0 =	sadd.s32 @!p0 $0x100000, s0;
	[bflag:$0x2] =	sbarrier.arrive $0xFFFF  }
0xaf: {  	[sflag:s0] =	ssyncadd.tile.s32 @!p0 $0x1;
	_ =	shalt  }
.Lfunc_end2:
_tile_overlayer_lowered:
.L_overlay_start_2:
0xb0: {  	(tag) =	ssettag $0x2  }
0xb1: {  	s0 =	rddreg [dreg:$0x0];
	s2 =	stileid.u32  }
0xb2: {  	s1 =	rddreg [dreg:$0x1];
	p0 =	sne.s32 s2, $0x0  }
0xb3: {  	s3 =	rddreg [dreg:$0x2];
	[bflag:$0x3] =	sbarrier.arrive $0xFFFF;
	s2 =	simm.s32 @!p0 $0x1C01  }
0xb4: {  	[timem:s3], [sflag:s2] =	dma.local @!p0 [hbm:s0], s1  }
0xb5: {  	s0 =	simm.s32 @!p0 $0x1  }
0xb6: {  	_ =	swait.ge @!p0 [sflag:s0], s1  }
0xb7: {  	s1 =	ssub.s32 @!p0 $0x0, s1;
	[sflag:s0] =	ssyncset.done @!p0 $0x0  }
0xb8: {  	[sflag:s0] =	ssyncadd.s32 @!p0 s1  }
0xb9: {  	[bflag:$0x3] =	sbarrier.arrive $0xFFFF  }
0xba: {  	_ =	shalt  }

</sc_bundles>
